<compile_context>
chip_gen: v7x
topology: tpu7x:2x2x1
jax: 0.10.2.dev20260603
libtpu: 0.0.44.dev20260713+nightly
codegen_flags: <defaults>
</compile_context>

<pallas_src>
import functools

import jax
import jax.numpy as jnp
from jax import lax
from jax.experimental import pallas as pl
from jax.experimental.pallas import tpu as pltpu
from jax.experimental.pallas import tpu_sc as plsc

N = 100000
EMB = 112
DPE = 16
DH = 128
EPS = 1e-5
PACK = DH // DPE
N8 = N // PACK

_NC = 2
_NS = 16
_NW = _NC * _NS
_CHUNK = 128
_CPW = 25
_BPW = _CHUNK * _CPW


def _pe_body(pe_ref, bd_ref, bt_ref, gt_ref, bet_ref, out_ref):
    z = jnp.dot(pe_ref[...], bd_ref[...],
                preferred_element_type=jnp.float32) + bt_ref[...]
    s = jnp.sum(z, axis=0, keepdims=True)
    ss = jnp.sum(z * z, axis=0, keepdims=True)
    ri = lax.broadcasted_iota(jnp.int32, (DH, DH), 0) % DPE
    ci = lax.broadcasted_iota(jnp.int32, (DH, DH), 1) % DPE
    g = (ri == ci).astype(jnp.float32)
    stot = jnp.dot(s, g, preferred_element_type=jnp.float32)
    sstot = jnp.dot(ss, g, preferred_element_type=jnp.float32)
    mean = stot / N
    var = sstot / N - mean * mean
    scale = gt_ref[...] * lax.rsqrt(var + EPS)
    shift = bet_ref[...] - mean * scale
    out_ref[...] = z * scale + shift


def _pe_half(pe, W_pe, b_pe, gamma, beta):
    pe_r = pe.reshape(N8, DH)
    bd = jnp.kron(jnp.eye(PACK, dtype=jnp.float32), W_pe)
    bt = jnp.tile(b_pe, PACK)[None, :]
    gt = jnp.tile(gamma, PACK)[None, :]
    bet = jnp.tile(beta, PACK)[None, :]
    h2_r = pl.pallas_call(
        _pe_body,
        out_shape=jax.ShapeDtypeStruct((N8, DH), jnp.float32),
    )(pe_r, bd, bt, gt, bet)
    return h2_r.reshape(N, DPE)


def _sc_gather_concat(emb_table, feature, h2):
    mesh = plsc.VectorSubcoreMesh(core_axis_name="c", subcore_axis_name="s")

    @functools.partial(
        pl.kernel,
        mesh=mesh,
        out_type=jax.ShapeDtypeStruct((N, DH), jnp.float32),
        compiler_params=pltpu.CompilerParams(use_tc_tiling_on_sc=False),
        scratch_types=[
            pltpu.VMEM((1, _CHUNK), jnp.int32),
            pltpu.VMEM((_CHUNK, EMB), jnp.float32),
            pltpu.VMEM((_CHUNK, DPE), jnp.float32),
            pltpu.SemaphoreType.DMA,
        ],
    )
    def k(table_hbm, feat_hbm, h2_hbm, out_hbm, idx_v, rows_v, h2_v, sem):
        wid = lax.axis_index("s") * _NC + lax.axis_index("c")
        start = jnp.minimum(wid * _BPW, N - _BPW)

        def body(j, carry):
            r0 = start + j * _CHUNK
            pltpu.sync_copy(feat_hbm.at[pl.ds(r0, _CHUNK)], idx_v.at[0])
            pltpu.async_copy(table_hbm.at[idx_v.at[0]], rows_v, sem).wait()
            pltpu.sync_copy(h2_hbm.at[pl.ds(r0, _CHUNK)], h2_v)
            pltpu.sync_copy(rows_v, out_hbm.at[pl.ds(r0, _CHUNK), pl.ds(0, EMB)])
            pltpu.sync_copy(h2_v, out_hbm.at[pl.ds(r0, _CHUNK), pl.ds(EMB, DPE)])
            return carry

        lax.fori_loop(0, _CPW, body, 0)

    return k(emb_table, feature, h2)


def kernel(feature, pe, emb_table, W_pe, b_pe, gamma, beta):
    h2 = _pe_half(pe, W_pe, b_pe, gamma, beta)
    return _sc_gather_concat(emb_table, feature, h2)

# --- scband reference (transcript-rebuilt; emitter-appended) ---
"""Pipeline reference for scband-concat-node-encoder-63874753626521 (READ-ONLY COPY).

The authoritative reference and input builder live on the scoring server;
editing this copy changes nothing except your own understanding.
"""

import jax, jax.numpy as jnp
import numpy as np

N = 100000
VOCAB = 100000
DIM_HIDDEN = 128
DIM_PE = 16
PE_IN = 16
EMB_DIM = DIM_HIDDEN - DIM_PE  # 112
EPS = 1e-5


def setup_inputs(seed: int = 0) -> dict:
    key = jax.random.key(seed)
    k1, k2, k3, k4, k5, k6 = jax.random.split(key, 6)
    feature = jax.random.randint(k1, (N,), 0, VOCAB, dtype=jnp.int32)
    pe = jax.random.normal(k2, (N, PE_IN), dtype=jnp.float32)
    # encoder1: embedding table (AtomEncoder-style categorical node encoder)
    emb_table = jax.random.normal(k3, (VOCAB, EMB_DIM), dtype=jnp.float32) * 0.02
    # encoder2: linear PE encoder + batchnorm params
    W_pe = jax.random.normal(k4, (PE_IN, DIM_PE), dtype=jnp.float32) * (1.0 / np.sqrt(PE_IN))
    b_pe = jnp.zeros((DIM_PE,), dtype=jnp.float32)
    gamma = jnp.ones((DIM_PE,), dtype=jnp.float32)
    beta = jnp.zeros((DIM_PE,), dtype=jnp.float32)
    return {
        "feature": feature,
        "pe": pe,
        "emb_table": emb_table,
        "W_pe": W_pe,
        "b_pe": b_pe,
        "gamma": gamma,
        "beta": beta,
    }


def reference(feature, pe, emb_table, W_pe, b_pe, gamma, beta):
    # encoder1(feature): embedding lookup -> [N, DIM_HIDDEN - DIM_PE]
    h1 = jnp.take(emb_table, feature, axis=0)
    # encoder2(pe): linear -> batchnorm (training-mode batch statistics) -> [N, DIM_PE]
    z = pe @ W_pe + b_pe
    mean = jnp.mean(z, axis=0, keepdims=True)
    var = jnp.var(z, axis=0, keepdims=True)
    h2 = (z - mean) / jnp.sqrt(var + EPS) * gamma + beta
    # concat along feature dim -> [N, DIM_HIDDEN]
    return jnp.concatenate((h1, h2), axis=1)

if __name__ == "__main__":
    import jax
    _d = setup_inputs()
    print(jax.jit(kernel)(*tuple(_d.values())))

</pallas_src>

<mosaic_0001>
#map = affine_map<(d0, d1) -> (0, 0)>
#map1 = affine_map<(d0, d1) -> (0)>
module attributes {stable_mosaic.version = 14 : i64} {
  func.func @k(%arg0: i32, %arg1: i32, %arg2: memref<100000x112xf32, #tpu.memory_space<hbm>>, %arg3: memref<100000xi32, #tpu.memory_space<hbm>>, %arg4: memref<100000x16xf32, #tpu.memory_space<hbm>>, %arg5: memref<100000x128xf32, #tpu.memory_space<hbm>>, %arg6: memref<1x128xi32, #tpu.memory_space<vmem>>, %arg7: memref<128x112xf32, #tpu.memory_space<vmem>>, %arg8: memref<128x16xf32, #tpu.memory_space<vmem>>, %arg9: memref<!tpu.dma_semaphore, #tpu.memory_space<semaphore_mem>>) attributes {dimension_semantics = [#tpu.dimension_semantics<core_parallel>, #tpu.dimension_semantics<subcore_parallel>], iteration_bounds = array<i64: 2, 16>, scalar_prefetch = 0 : i64, scratch_operands = 4 : i64, tpu.core_type = #tpu.core_type<sc_vector_subcore>, window_params = [{transform_indices = #map}, {transform_indices = #map1}, {transform_indices = #map}, {transform_indices = #map}]} {
    %mul3A = arith.constant 2 : i32
    %mul3A_0 = arith.muli %arg1, %mul3A : i32
    %add3A = arith.addi %mul3A_0, %arg0 : i32
    %mul3A_1 = arith.constant 3200 : i32
    %mul3A_2 = arith.muli %add3A, %mul3A_1 : i32
    %min3A = arith.constant 96800 : i32
    %min3A_3 = arith.minsi %mul3A_2, %min3A : i32
    %scan3A = arith.constant 0 : i32
    %scan3A_4 = arith.constant 0 : i32
    %scan3A_5 = arith.constant 25 : i32
    %scan3A_6 = arith.addi %scan3A_4, %scan3A_5 : i32
    %scan3A_7 = arith.constant 1 : i32
    scf.for %scan3A_9 = %scan3A_4 to %scan3A_6 step %scan3A_7  : i32 {
      %mul3A_10 = arith.constant 128 : i32
      %mul3A_11 = arith.muli %scan3A_9, %mul3A_10 : i32
      %add3A_12 = arith.addi %min3A_3, %mul3A_11 : i32
      %run_scoped3A = arith.constant 0 : i32
      "tpu.region"() ({
        %run_scoped3A_25 = tpu.sem_alloc : memref<!tpu.dma_semaphore, #tpu.memory_space<semaphore_mem>>
        %dma_start3A_26 = arith.constant 0 : i32
        %dma_start3A_27 = tpu.memref_slice %arg6[%run_scoped3A, %dma_start3A_26] : memref<1x128xi32, #tpu.memory_space<vmem>> -> memref<1x128xi32, #tpu.memory_space<vmem>>
        %dma_start3A_28 = tpu.memref_squeeze %dma_start3A_27 : memref<1x128xi32, #tpu.memory_space<vmem>> -> memref<128xi32, #tpu.memory_space<vmem>>
        %dma_start3A_29 = tpu.memref_slice %arg3[%add3A_12] : memref<100000xi32, #tpu.memory_space<hbm>> -> memref<128xi32, #tpu.memory_space<hbm>>
        %dma_start3A_30 = arith.constant 0 : i32
        %dma_start3A_31 = tpu.memref_slice %arg6[%run_scoped3A, %dma_start3A_30] : memref<1x128xi32, #tpu.memory_space<vmem>> -> memref<1x128xi32, #tpu.memory_space<vmem>>
        %dma_start3A_32 = tpu.memref_squeeze %dma_start3A_31 : memref<1x128xi32, #tpu.memory_space<vmem>> -> memref<128xi32, #tpu.memory_space<vmem>>
        %dma_start3A_33 = tpu.memref_slice %arg3[%add3A_12] : memref<100000xi32, #tpu.memory_space<hbm>> -> memref<128xi32, #tpu.memory_space<hbm>>
        tpu.enqueue_dma source(%dma_start3A_33 : memref<128xi32, #tpu.memory_space<hbm>>) target(%dma_start3A_32 : memref<128xi32, #tpu.memory_space<vmem>>) target_semaphore(%run_scoped3A_25 : memref<!tpu.dma_semaphore, #tpu.memory_space<semaphore_mem>>)
        %dma_wait3A_34 = arith.constant 0 : i32
        %dma_wait3A_35 = tpu.memref_slice %arg6[%run_scoped3A, %dma_wait3A_34] : memref<1x128xi32, #tpu.memory_space<vmem>> -> memref<1x128xi32, #tpu.memory_space<vmem>>
        %dma_wait3A_36 = tpu.memref_squeeze %dma_wait3A_35 : memref<1x128xi32, #tpu.memory_space<vmem>> -> memref<128xi32, #tpu.memory_space<vmem>>
        %dma_wait3A_37 = tpu.memref_slice %arg3[%add3A_12] : memref<100000xi32, #tpu.memory_space<hbm>> -> memref<128xi32, #tpu.memory_space<hbm>>
        %dma_wait3A_38 = arith.constant 0 : i32
        %dma_wait3A_39 = tpu.memref_slice %arg6[%run_scoped3A, %dma_wait3A_38] : memref<1x128xi32, #tpu.memory_space<vmem>> -> memref<1x128xi32, #tpu.memory_space<vmem>>
        %dma_wait3A_40 = tpu.memref_squeeze %dma_wait3A_39 : memref<1x128xi32, #tpu.memory_space<vmem>> -> memref<128xi32, #tpu.memory_space<vmem>>
        %dma_wait3A_41 = tpu.memref_slice %arg3[%add3A_12] : memref<100000xi32, #tpu.memory_space<hbm>> -> memref<128xi32, #tpu.memory_space<hbm>>
        tpu.wait_dma2 semaphore(%run_scoped3A_25 : memref<!tpu.dma_semaphore, #tpu.memory_space<semaphore_mem>>) src(%dma_wait3A_41 : memref<128xi32, #tpu.memory_space<hbm>>) dst(%dma_wait3A_40 : memref<128xi32, #tpu.memory_space<vmem>>)
        tpu.yield
      }) : () -> ()
      %dma_start3A = arith.constant 0 : i32
      %dma_start3A_13 = arith.constant 0 : i32
      %dma_start3A_14 = tpu.memref_slice %arg6[%dma_start3A, %dma_start3A_13] : memref<1x128xi32, #tpu.memory_space<vmem>> -> memref<1x128xi32, #tpu.memory_space<vmem>>
      %dma_start3A_15 = tpu.memref_squeeze %dma_start3A_14 : memref<1x128xi32, #tpu.memory_space<vmem>> -> memref<128xi32, #tpu.memory_space<vmem>>
      %dma_start3A_16 = arith.constant 0 : i32
      %dma_start3A_17 = arith.constant 0 : i32
      %dma_start3A_18 = tpu.memref_slice %arg2[%dma_start3A_16, %dma_start3A_17] : memref<100000x112xf32, #tpu.memory_space<hbm>> -> memref<100000x112xf32, #tpu.memory_space<hbm>>
      tpu.enqueue_indirect_dma source(%dma_start3A_18 : memref<100000x112xf32, #tpu.memory_space<hbm>>) target(%arg7 : memref<128x112xf32, #tpu.memory_space<vmem>>) offsets(%dma_start3A_15 : memref<128xi32, #tpu.memory_space<vmem>>) semaphore(%arg9 : memref<!tpu.dma_semaphore, #tpu.memory_space<semaphore_mem>>)
      %dma_wait3A = arith.constant 0 : i32
      %dma_wait3A_19 = arith.constant 0 : i32
      %dma_wait3A_20 = tpu.memref_slice %arg6[%dma_wait3A, %dma_wait3A_19] : memref<1x128xi32, #tpu.memory_space<vmem>> -> memref<1x128xi32, #tpu.memory_space<vmem>>
      %dma_wait3A_21 = tpu.memref_squeeze %dma_wait3A_20 : memref<1x128xi32, #tpu.memory_space<vmem>> -> memref<128xi32, #tpu.memory_space<vmem>>
      %dma_wait3A_22 = arith.constant 0 : i32
      %dma_wait3A_23 = arith.constant 0 : i32
      %dma_wait3A_24 = tpu.memref_slice %arg2[%dma_wait3A_22, %dma_wait3A_23] : memref<100000x112xf32, #tpu.memory_space<hbm>> -> memref<100000x112xf32, #tpu.memory_space<hbm>>
      tpu.wait_indirect_dma semaphore(%arg9 : memref<!tpu.dma_semaphore, #tpu.memory_space<semaphore_mem>>) src(%dma_wait3A_24 : memref<100000x112xf32, #tpu.memory_space<hbm>>) dst(%arg7 : memref<128x112xf32, #tpu.memory_space<vmem>>)
      "tpu.region"() ({
        %run_scoped3A_25 = tpu.sem_alloc : memref<!tpu.dma_semaphore, #tpu.memory_space<semaphore_mem>>
        %dma_start3A_26 = arith.constant 0 : i32
        %dma_start3A_27 = tpu.memref_slice %arg4[%add3A_12, %dma_start3A_26] : memref<100000x16xf32, #tpu.memory_space<hbm>> -> memref<128x16xf32, #tpu.memory_space<hbm>>
        %dma_start3A_28 = arith.constant 0 : i32
        %dma_start3A_29 = tpu.memref_slice %arg4[%add3A_12, %dma_start3A_28] : memref<100000x16xf32, #tpu.memory_space<hbm>> -> memref<128x16xf32, #tpu.memory_space<hbm>>
        tpu.enqueue_dma source(%dma_start3A_29 : memref<128x16xf32, #tpu.memory_space<hbm>>) target(%arg8 : memref<128x16xf32, #tpu.memory_space<vmem>>) target_semaphore(%run_scoped3A_25 : memref<!tpu.dma_semaphore, #tpu.memory_space<semaphore_mem>>)
        %dma_wait3A_30 = arith.constant 0 : i32
        %dma_wait3A_31 = tpu.memref_slice %arg4[%add3A_12, %dma_wait3A_30] : memref<100000x16xf32, #tpu.memory_space<hbm>> -> memref<128x16xf32, #tpu.memory_space<hbm>>
        %dma_wait3A_32 = arith.constant 0 : i32
        %dma_wait3A_33 = tpu.memref_slice %arg4[%add3A_12, %dma_wait3A_32] : memref<100000x16xf32, #tpu.memory_space<hbm>> -> memref<128x16xf32, #tpu.memory_space<hbm>>
        tpu.wait_dma2 semaphore(%run_scoped3A_25 : memref<!tpu.dma_semaphore, #tpu.memory_space<semaphore_mem>>) src(%dma_wait3A_33 : memref<128x16xf32, #tpu.memory_space<hbm>>) dst(%arg8 : memref<128x16xf32, #tpu.memory_space<vmem>>)
        tpu.yield
      }) : () -> ()
      "tpu.region"() ({
        %run_scoped3A_25 = tpu.sem_alloc : memref<!tpu.dma_semaphore, #tpu.memory_space<semaphore_mem>>
        %dma_start3A_26 = arith.constant 0 : i32
        %dma_start3A_27 = tpu.memref_slice %arg5[%add3A_12, %dma_start3A_26] : memref<100000x128xf32, #tpu.memory_space<hbm>> -> memref<128x112xf32, #tpu.memory_space<hbm>>
        %dma_start3A_28 = arith.constant 0 : i32
        %dma_start3A_29 = tpu.memref_slice %arg5[%add3A_12, %dma_start3A_28] : memref<100000x128xf32, #tpu.memory_space<hbm>> -> memref<128x112xf32, #tpu.memory_space<hbm>>
        tpu.enqueue_dma source(%arg7 : memref<128x112xf32, #tpu.memory_space<vmem>>) target(%dma_start3A_29 : memref<128x112xf32, #tpu.memory_space<hbm>>) target_semaphore(%run_scoped3A_25 : memref<!tpu.dma_semaphore, #tpu.memory_space<semaphore_mem>>)
        %dma_wait3A_30 = arith.constant 0 : i32
        %dma_wait3A_31 = tpu.memref_slice %arg5[%add3A_12, %dma_wait3A_30] : memref<100000x128xf32, #tpu.memory_space<hbm>> -> memref<128x112xf32, #tpu.memory_space<hbm>>
        %dma_wait3A_32 = arith.constant 0 : i32
        %dma_wait3A_33 = tpu.memref_slice %arg5[%add3A_12, %dma_wait3A_32] : memref<100000x128xf32, #tpu.memory_space<hbm>> -> memref<128x112xf32, #tpu.memory_space<hbm>>
        tpu.wait_dma2 semaphore(%run_scoped3A_25 : memref<!tpu.dma_semaphore, #tpu.memory_space<semaphore_mem>>) src(%arg7 : memref<128x112xf32, #tpu.memory_space<vmem>>) dst(%dma_wait3A_33 : memref<128x112xf32, #tpu.memory_space<hbm>>)
        tpu.yield
      }) : () -> ()
      "tpu.region"() ({
        %run_scoped3A_25 = tpu.sem_alloc : memref<!tpu.dma_semaphore, #tpu.memory_space<semaphore_mem>>
        %dma_start3A_26 = arith.constant 112 : i32
        %dma_start3A_27 = tpu.memref_slice %arg5[%add3A_12, %dma_start3A_26] : memref<100000x128xf32, #tpu.memory_space<hbm>> -> memref<128x16xf32, #tpu.memory_space<hbm>>
        %dma_start3A_28 = arith.constant 112 : i32
        %dma_start3A_29 = tpu.memref_slice %arg5[%add3A_12, %dma_start3A_28] : memref<100000x128xf32, #tpu.memory_space<hbm>> -> memref<128x16xf32, #tpu.memory_space<hbm>>
        tpu.enqueue_dma source(%arg8 : memref<128x16xf32, #tpu.memory_space<vmem>>) target(%dma_start3A_29 : memref<128x16xf32, #tpu.memory_space<hbm>>) target_semaphore(%run_scoped3A_25 : memref<!tpu.dma_semaphore, #tpu.memory_space<semaphore_mem>>)
        %dma_wait3A_30 = arith.constant 112 : i32
        %dma_wait3A_31 = tpu.memref_slice %arg5[%add3A_12, %dma_wait3A_30] : memref<100000x128xf32, #tpu.memory_space<hbm>> -> memref<128x16xf32, #tpu.memory_space<hbm>>
        %dma_wait3A_32 = arith.constant 112 : i32
        %dma_wait3A_33 = tpu.memref_slice %arg5[%add3A_12, %dma_wait3A_32] : memref<100000x128xf32, #tpu.memory_space<hbm>> -> memref<128x16xf32, #tpu.memory_space<hbm>>
        tpu.wait_dma2 semaphore(%run_scoped3A_25 : memref<!tpu.dma_semaphore, #tpu.memory_space<semaphore_mem>>) src(%arg8 : memref<128x16xf32, #tpu.memory_space<vmem>>) dst(%dma_wait3A_33 : memref<128x16xf32, #tpu.memory_space<hbm>>)
        tpu.yield
      }) : () -> ()
    }
    %scan3A_8 = arith.constant 25 : i32
    return
  }
}

module attributes {stable_mosaic.version = 14 : i64} {
  func.func @_pe_body(%arg0: memref<12500x128xf32, #tpu.memory_space<vmem>>, %arg1: memref<128x128xf32, #tpu.memory_space<vmem>>, %arg2: memref<1x128xf32, #tpu.memory_space<vmem>>, %arg3: memref<1x128xf32, #tpu.memory_space<vmem>>, %arg4: memref<1x128xf32, #tpu.memory_space<vmem>>, %arg5: memref<12500x128xf32, #tpu.memory_space<vmem>>) attributes {dimension_semantics = [], scalar_prefetch = 0 : i64, scratch_operands = 0 : i64, tpu.core_type = #tpu.core_type<tc>} {
    %get3A = arith.constant 0 : index
    %get3A_0 = arith.constant 0 : index
    %get3A_1 = vector.load %arg0[%get3A, %get3A_0] : memref<12500x128xf32, #tpu.memory_space<vmem>>, vector<12500x128xf32>
    %get3A_2 = arith.constant 0 : index
    %get3A_3 = arith.constant 0 : index
    %get3A_4 = vector.load %arg1[%get3A_2, %get3A_3] : memref<128x128xf32, #tpu.memory_space<vmem>>, vector<128x128xf32>
    %dot_general3A = arith.constant dense<0.000000e+00> : vector<12500x128xf32>
    %dot_general3A_5 = tpu.matmul %get3A_1, %get3A_4, %dot_general3A {dimension_numbers = #tpu.dot_dimension_numbers<[1], [0], [0], [1], [0, 0, 1, 1], [], []>, transpose_lhs_hint = false} : vector<12500x128xf32>, vector<128x128xf32>, vector<12500x128xf32> -> vector<12500x128xf32>
    %get3A_6 = arith.constant 0 : index
    %get3A_7 = arith.constant 0 : index
    %get3A_8 = vector.load %arg2[%get3A_6, %get3A_7] : memref<1x128xf32, #tpu.memory_space<vmem>>, vector<1x128xf32>
    %add3A = vector.broadcast %get3A_8 : vector<1x128xf32> to vector<12500x128xf32>
    %add3A_9 = arith.addf %dot_general3A_5, %add3A : vector<12500x128xf32>
    %reduce_sum3A = arith.constant dense<0.000000e+00> : vector<128xf32>
    %reduce_sum3A_10 = vector.multi_reduction <add>, %add3A_9, %reduce_sum3A [0] : vector<12500x128xf32> to vector<128xf32>
    %broadcast_in_dim3A = vector.shape_cast %reduce_sum3A_10 : vector<128xf32> to vector<1x128xf32>
    %mul3A = arith.mulf %add3A_9, %add3A_9 : vector<12500x128xf32>
    %reduce_sum3A_11 = arith.constant dense<0.000000e+00> : vector<128xf32>
    %reduce_sum3A_12 = vector.multi_reduction <add>, %mul3A, %reduce_sum3A_11 [0] : vector<12500x128xf32> to vector<128xf32>
    %broadcast_in_dim3A_13 = vector.shape_cast %reduce_sum3A_12 : vector<128xf32> to vector<1x128xf32>
    %iota3A = tpu.iota {dimensions = array<i32: 0>} : vector<128x128xi32>
    %jit3A = arith.constant 16 : i32
    %eq3A = arith.constant 0 : i32
    %eq3A_14 = arith.cmpi eq, %jit3A, %eq3A : i32
    %jit3A_15 = arith.constant 1 : i32
    %select_n3A = arith.select %eq3A_14, %jit3A_15, %jit3A : i32
    %rem3A = vector.broadcast %select_n3A : i32 to vector<128x128xi32>
    %rem3A_16 = arith.remsi %iota3A, %rem3A : vector<128x128xi32>
    %ne3A = arith.constant 0 : i32
    %ne3A_17 = vector.broadcast %ne3A : i32 to vector<128x128xi32>
    %ne3A_18 = arith.cmpi ne, %rem3A_16, %ne3A_17 : vector<128x128xi32>
    %lt3A = arith.constant 0 : i32
    %lt3A_19 = vector.broadcast %lt3A : i32 to vector<128x128xi32>
    %lt3A_20 = arith.cmpi slt, %rem3A_16, %lt3A_19 : vector<128x128xi32>
    %lt3A_21 = arith.constant 0 : i32
    %lt3A_22 = arith.cmpi slt, %select_n3A, %lt3A_21 : i32
    %ne3A_23 = vector.broadcast %lt3A_22 : i1 to vector<128x128xi1>
    %ne3A_24 = vector.broadcast %ne3A_23 : vector<128x128xi1> to vector<128x128xi1>
    %ne3A_25 = arith.xori %lt3A_20, %ne3A_24 : vector<128x128xi1>
    %and3A = arith.andi %ne3A_25, %ne3A_18 : vector<128x128xi1>
    %add3A_26 = vector.broadcast %select_n3A : i32 to vector<128x128xi32>
    %add3A_27 = arith.addi %rem3A_16, %add3A_26 : vector<128x128xi32>
    %select_n3A_28 = arith.select %and3A, %add3A_27, %rem3A_16 : vector<128x128xi1>, vector<128x128xi32>
    %iota3A_29 = tpu.iota {dimensions = array<i32: 1>} : vector<128x128xi32>
    %jit3A_30 = arith.constant 16 : i32
    %eq3A_31 = arith.constant 0 : i32
    %eq3A_32 = arith.cmpi eq, %jit3A_30, %eq3A_31 : i32
    %jit3A_33 = arith.constant 1 : i32
    %select_n3A_34 = arith.select %eq3A_32, %jit3A_33, %jit3A_30 : i32
    %rem3A_35 = vector.broadcast %select_n3A_34 : i32 to vector<128x128xi32>
    %rem3A_36 = arith.remsi %iota3A_29, %rem3A_35 : vector<128x128xi32>
    %ne3A_37 = arith.constant 0 : i32
    %ne3A_38 = vector.broadcast %ne3A_37 : i32 to vector<128x128xi32>
    %ne3A_39 = arith.cmpi ne, %rem3A_36, %ne3A_38 : vector<128x128xi32>
    %lt3A_40 = arith.constant 0 : i32
    %lt3A_41 = vector.broadcast %lt3A_40 : i32 to vector<128x128xi32>
    %lt3A_42 = arith.cmpi slt, %rem3A_36, %lt3A_41 : vector<128x128xi32>
    %lt3A_43 = arith.constant 0 : i32
    %lt3A_44 = arith.cmpi slt, %select_n3A_34, %lt3A_43 : i32
    %ne3A_45 = vector.broadcast %lt3A_44 : i1 to vector<128x128xi1>
    %ne3A_46 = vector.broadcast %ne3A_45 : vector<128x128xi1> to vector<128x128xi1>
    %ne3A_47 = arith.xori %lt3A_42, %ne3A_46 : vector<128x128xi1>
    %and3A_48 = arith.andi %ne3A_47, %ne3A_39 : vector<128x128xi1>
    %add3A_49 = vector.broadcast %select_n3A_34 : i32 to vector<128x128xi32>
    %add3A_50 = arith.addi %rem3A_36, %add3A_49 : vector<128x128xi32>
    %select_n3A_51 = arith.select %and3A_48, %add3A_50, %rem3A_36 : vector<128x128xi1>, vector<128x128xi32>
    %eq3A_52 = arith.cmpi eq, %select_n3A_28, %select_n3A_51 : vector<128x128xi32>
    %convert_element_type3A = arith.extui %eq3A_52 : vector<128x128xi1> to vector<128x128xi32>
    %convert_element_type3A_53 = arith.sitofp %convert_element_type3A : vector<128x128xi32> to vector<128x128xf32>
    %dot_general3A_54 = arith.constant dense<0.000000e+00> : vector<1x128xf32>
    %dot_general3A_55 = tpu.matmul %broadcast_in_dim3A, %convert_element_type3A_53, %dot_general3A_54 {dimension_numbers = #tpu.dot_dimension_numbers<[1], [0], [0], [1], [0, 0, 1, 1], [], []>, transpose_lhs_hint = false} : vector<1x128xf32>, vector<128x128xf32>, vector<1x128xf32> -> vector<1x128xf32>
    %dot_general3A_56 = arith.constant dense<0.000000e+00> : vector<1x128xf32>
    %dot_general3A_57 = tpu.matmul %broadcast_in_dim3A_13, %convert_element_type3A_53, %dot_general3A_56 {dimension_numbers = #tpu.dot_dimension_numbers<[1], [0], [0], [1], [0, 0, 1, 1], [], []>, transpose_lhs_hint = false} : vector<1x128xf32>, vector<128x128xf32>, vector<1x128xf32> -> vector<1x128xf32>
    %div3A = arith.constant 1.000000e+05 : f32
    %div3A_58 = vector.broadcast %div3A : f32 to vector<1x128xf32>
    %div3A_59 = arith.divf %dot_general3A_55, %div3A_58 : vector<1x128xf32>
    %div3A_60 = arith.constant 1.000000e+05 : f32
    %div3A_61 = vector.broadcast %div3A_60 : f32 to vector<1x128xf32>
    %div3A_62 = arith.divf %dot_general3A_57, %div3A_61 : vector<1x128xf32>
    %mul3A_63 = arith.mulf %div3A_59, %div3A_59 : vector<1x128xf32>
    %sub3A = arith.subf %div3A_62, %mul3A_63 : vector<1x128xf32>
    %get3A_64 = arith.constant 0 : index
    %get3A_65 = arith.constant 0 : index
    %get3A_66 = vector.load %arg3[%get3A_64, %get3A_65] : memref<1x128xf32, #tpu.memory_space<vmem>>, vector<1x128xf32>
    %add3A_67 = arith.constant 9.99999974E-6 : f32
    %add3A_68 = vector.broadcast %add3A_67 : f32 to vector<1x128xf32>
    %add3A_69 = arith.addf %sub3A, %add3A_68 : vector<1x128xf32>
    %rsqrt3A = math.rsqrt %add3A_69 : vector<1x128xf32>
    %mul3A_70 = arith.mulf %get3A_66, %rsqrt3A : vector<1x128xf32>
    %get3A_71 = arith.constant 0 : index
    %get3A_72 = arith.constant 0 : index
    %get3A_73 = vector.load %arg4[%get3A_71, %get3A_72] : memref<1x128xf32, #tpu.memory_space<vmem>>, vector<1x128xf32>
    %mul3A_74 = arith.mulf %div3A_59, %mul3A_70 : vector<1x128xf32>
    %sub3A_75 = arith.subf %get3A_73, %mul3A_74 : vector<1x128xf32>
    %mul3A_76 = vector.broadcast %mul3A_70 : vector<1x128xf32> to vector<12500x128xf32>
    %mul3A_77 = arith.mulf %add3A_9, %mul3A_76 : vector<12500x128xf32>
    %add3A_78 = vector.broadcast %sub3A_75 : vector<1x128xf32> to vector<12500x128xf32>
    %add3A_79 = arith.addf %mul3A_77, %add3A_78 : vector<12500x128xf32>
    %swap3A = arith.constant 0 : index
    %swap3A_80 = arith.constant 0 : index
    %swap3A_81 = vector.load %arg5[%swap3A, %swap3A_80] : memref<12500x128xf32, #tpu.memory_space<vmem>>, vector<12500x128xf32>
    tpu.vector_store %arg5[%swap3A, %swap3A_80], %add3A_79 {strides = array<i32>} : memref<12500x128xf32, #tpu.memory_space<vmem>>, vector<12500x128xf32>,
    return
  }
}

</mosaic_0001>

<sc_bundles>
// kernel: kernel.4.cloned.1.call-start
scs
__scs_entry_jumppad:
0x0: {  	(pc) =	sbr.rel $0x88, $3  }
0x1: {  	(tag) =	ssettag $0x0;
	lr =	simm.s32 $0x1  }
0x2: {  	[smem:$0x3F9A] =	sst lr;
	_ =	strace $0xD0000000  }
0x3: {  	_ = 	snop  }
0x4: {  	_ = 	snop  }
0x5: {  	_ = 	snop  }
0x6: {  	_ = 	snop  }
0x7: {  	_ = 	snop  }
__scs_overlays_trampoline_lowered:
0x8: {  	[smem:$0x3FA9] =	sst s0  }
0x9: {  	[smem:$0x3FAA] =	sst s1  }
0xa: {  	[smem:$0x3FAB] =	sst s2  }
0xb: {  	[smem:$0x3FAC] =	sst s3  }
0xc: {  	[smem:$0x3FAD] =	sst s4  }
0xd: {  	[smem:$0x3FAE] =	sst s5  }
0xe: {  	[smem:$0x3FAF] =	sst s6  }
0xf: {  	[smem:$0x3FB0] =	sst s7  }
0x10: {  	[smem:$0x3FB1] =	sst s8  }
0x11: {  	[smem:$0x3FB2] =	sst s9;
	s0 =	simm.s32 @!p0 $0x0  }
0x12: {  	s1 =	sld [smem:$0x3F98];
	s0 =	simm.s32 @p0 $0x1  }
0x13: {  	[smem:$0x3FB3] =	sst s0;
	s0 =	simm.s32 @!p1 $0x0  }
0x14: {  	s2 =	sld [smem:$0x3F97];
	s0 =	simm.s32 @p1 $0x1  }
0x15: {  	[smem:$0x3FB4] =	sst s0;
	s0 =	simm.s32 @!p2 $0x0  }
0x16: {  	s3 =	sld [smem:$0x3FDB];
	s0 =	simm.s32 @p2 $0x1  }
0x17: {  	s4 =	simm.s32 $0x1BF5;
	[smem:$0x3FB6] =	sst s0  }
0x18: {  	s0 =	sld [smem:$0x3F99];
	_ =	swait.ge [sflag:s4], $0x0  }
0x19: {  	s7 =	sld [smem:$0x3F9A]  }
0x1a: {  	s8 =	sadd.s32 $0xFFFFE003, lr  }
0x1b: {  	s9 =	sadd.s32 $0xFFFFFEF7, lr;
	s5 =	simm.s32 $0xFFFFFFFF;
	p2 =	slt.u32 s8, $0xFFFFF086  }
0x1c: {  	p1 =	slt.u32 s9, $0xF7A;
	s5 =	simm.s32 @!p2 $0x0  }
0x1d: {  	s5 =	simm.s32 @p1 $0x1;
	p0 =	seq.s32 s7, s2  }
0x1e: {  	s7 =	smul.u32 @!p0 $0xF7A, s2;
	p2 =	seq.s32 @!p0 s5, $0x0  }
0x1f: {  	s9 =	smul.u32 $0xF7A, s1;
	s8 =	simm.s32 @!p0 $0x1BF5;
	p2 =	por !p2, p0  }
0x20: {  	[sflag:s8] =	ssyncset.s32 @!p0 $0xFFFFF086;
	s6 =	sadd.s32 @!p0 s3, s7;
	s7 =	simm.s32 @!p0 $0x108  }
0x21: {  	s3 =	sadd.s32 s3, s9;
	s6 =	sadd.s32 @!p0 $0x88, s6;
	s7 =	simm.s32 @p2 $0x1082  }
0x22: {  	[simem:s7], [sflag:s8] =	dma.local @!p0 [hbm:s6], $0xF7A  }
0x23: {  	s9 =	sor.u32 $0xD0000000, s2;
	s6 =	simm.s32 $0x108;
	_ =	swait.ge @!p0 [sflag:s8], $0x0  }
0x24: {  	s3 =	sadd.s32 $0x88, s3;
	s6 =	simm.s32 @!p1 $0x1082;
	[sflag:s4] =	ssyncset.s32 $0xFFFFF086  }
0x25: {  	[simem:s6], [sflag:s4] =	dma.local [hbm:s3], $0xF7A  }
0x26: {  	[smem:$0x3F9A] =	sst s1;
	(tag) =	ssettag s2;
	_ =	strace s9  }
0x27: {  	s1 =	sld [smem:$0x3FAA]  }
0x28: {  	s2 =	sld [smem:$0x3FAB]  }
0x29: {  	s4 =	sld [smem:$0x3FAD]  }
0x2a: {  	p0 =	seq.s32 s5, $0x0;
	s5 =	sld [smem:$0x3FAE]  }
0x2b: {  	s6 =	sld [smem:$0x3FAF]  }
0x2c: {  	s7 =	sld [smem:$0x3FB0]  }
0x2d: {  	s3 =	simm.s32 $0x108;
	s8 =	sld [smem:$0x3FB1]  }
0x2e: {  	s3 =	simm.s32 @!p0 $0x1082;
	s9 =	sld [smem:$0x3FB2]  }
0x2f: {  	lr =	sadd.s32 s0, s3;
	s0 =	sld [smem:$0x3FA9]  }
0x30: {  	s3 =	sld [smem:$0x3FAC]  }
0x31: {  	[smem:$0x3FB5] =	sst s10  }
0x32: {  	s10 =	sld [smem:$0x3FB3];
	_ =	sdelay $0x3  }
0x33: {  	p0 =	seq.s32 s10, $0x1;
	s10 =	sld [smem:$0x3FB5];
	_ =	sdelay $0x3  }
0x34: {  	[smem:$0x3FB5] =	sst s10  }
0x35: {  	s10 =	sld [smem:$0x3FB4];
	_ =	sdelay $0x3  }
0x36: {  	p1 =	seq.s32 s10, $0x1;
	s10 =	sld [smem:$0x3FB5];
	_ =	sdelay $0x3  }
0x37: {  	[smem:$0x3FB5] =	sst s10  }
0x38: {  	s10 =	sld [smem:$0x3FB6]  }
0x39: {  	_ = 	snop;
	(pc) =	sbr.ind lr, $3  }
0x3a: {  	_ = 	snop  }
0x3b: {  	_ = 	snop  }
0x3c: {  	p2 =	seq.s32 s10, $0x1;
	s10 =	sld [smem:$0x3FB5]  }
0x3d: {  	_ =	shalt  }
0x3e: {  	_ =	shalt  }
0x3f: {  	_ =	shalt  }
0x40: {  	_ =	shalt  }
0x41: {  	_ =	shalt  }
0x42: {  	_ =	shalt  }
0x43: {  	_ =	shalt  }
0x44: {  	_ =	shalt  }
0x45: {  	_ =	shalt  }
0x46: {  	_ =	shalt  }
0x47: {  	_ =	shalt  }
0x48: {  	_ =	shalt  }
0x49: {  	_ =	shalt  }
0x4a: {  	_ =	shalt  }
0x4b: {  	_ =	shalt  }
0x4c: {  	_ =	shalt  }
0x4d: {  	_ =	shalt  }
0x4e: {  	_ =	shalt  }
0x4f: {  	_ =	shalt  }
0x50: {  	_ =	shalt  }
0x51: {  	_ =	shalt  }
0x52: {  	_ =	shalt  }
0x53: {  	_ =	shalt  }
0x54: {  	_ =	shalt  }
0x55: {  	_ =	shalt  }
0x56: {  	_ =	shalt  }
0x57: {  	_ =	shalt  }
0x58: {  	_ =	shalt  }
0x59: {  	_ =	shalt  }
0x5a: {  	_ =	shalt  }
0x5b: {  	_ =	shalt  }
0x5c: {  	_ =	shalt  }
0x5d: {  	_ =	shalt  }
0x5e: {  	_ =	shalt  }
0x5f: {  	_ =	shalt  }
0x60: {  	_ =	shalt  }
0x61: {  	_ =	shalt  }
0x62: {  	_ =	shalt  }
0x63: {  	_ =	shalt  }
0x64: {  	_ =	shalt  }
0x65: {  	_ =	shalt  }
0x66: {  	_ =	shalt  }
0x67: {  	_ =	shalt  }
0x68: {  	_ =	shalt  }
0x69: {  	_ =	shalt  }
0x6a: {  	_ =	shalt  }
0x6b: {  	_ =	shalt  }
0x6c: {  	_ =	shalt  }
0x6d: {  	_ =	shalt  }
0x6e: {  	_ =	shalt  }
0x6f: {  	_ =	shalt  }
0x70: {  	_ =	shalt  }
0x71: {  	_ =	shalt  }
0x72: {  	_ =	shalt  }
0x73: {  	_ =	shalt  }
0x74: {  	_ =	shalt  }
0x75: {  	_ =	shalt  }
0x76: {  	_ =	shalt  }
0x77: {  	_ =	shalt  }
0x78: {  	_ =	shalt  }
0x79: {  	_ =	shalt  }
0x7a: {  	_ =	shalt  }
0x7b: {  	_ =	shalt  }
0x7c: {  	_ =	shalt  }
0x7d: {  	_ =	shalt  }
0x7e: {  	_ =	shalt  }
0x7f: {  	_ =	shalt  }
0x80: {  	_ =	shalt  }
0x81: {  	_ =	shalt  }
0x82: {  	_ =	shalt  }
0x83: {  	_ =	shalt  }
0x84: {  	_ =	shalt  }
0x85: {  	_ =	shalt  }
0x86: {  	_ =	shalt  }
0x87: {  	_ =	shalt  }
.Lfunc_end0:
.L_simem_size_0:
called_computation_lowered:
.L_overlay_start_0:
0x88: {  	s2 =	sld [smem:$0x3FD9]  }
0x89: {  	s3 =	sld [smem:$0x3FFE];
	_ =	sdelay $0x1  }
0x8a: {  	s1 =	srdreg.scid  }
0x8b: {  	s0 =	sand.u32 $0x1, s1  }
0x8c: {  	s17 =	sshll.u32 s0, $0xA;
	s2 =	sadd.s32 s3, s2  }
0x8d: {  	s2 =	sadd.s32 s2, s17  }
0x8e: {  	[smem:$0x3FC1] =	sst s2  }
0x8f: {  	_ = 	snop  }
0x90: {  	s2 =	sld [smem:$0x3FC9]  }
0x91: {  	s18 =	sld [smem:$0x3FD0];
	(tm) =	ssettm $0x1  }
0x92: {  	s4 =	sld [smem:$0x3FFB];
	_ =	sdelay $0x3  }
0x93: {  	_ =	strace s4  }
0x94: {  	s4 =	sld [smem:$0x3FFC];
	_ =	sdelay $0x3  }
0x95: {  	_ =	strace s4  }
0x96: {  	s4 =	sld [smem:$0x3FFD];
	_ =	sdelay $0x3  }
0x97: {  	_ =	strace s4  }
0x98: {  	_ =	strace $0x8FFFFFFF  }
0x99: {  	s19 =	sld [smem:$0x3FDB];
	_ =	sdelay $0x1  }
0x9a: {  	s5 =	simm.s32 $_scs_section_size  }
0x9b: {  	s6 =	simm.s32 $_size__tile_overlayer_lowered;
	s7 =	simm.s32 $_tile_overlayer_lowered  }
0x9c: {  	s22 =	simm.s32 $0x1BFF;
	s21 =	sshll.u32 s7, $0x1;
	s4 =	sadd.s32 s5, s19  }
0x9d: {  	s8 =	simm.s32 $0x0;
	s20 =	sshll.u32 s6, $0x1;
	s6 =	sadd.s32 s21, s4  }
0x9e: {  	[timem:s8], [sflag:s22] =	dma.local [hbm:s6], s20  }
0x9f: {  	_ =	swait.ge [sflag:s22], s20  }
0xa0: {  	s5 =	ssub.s32 $0x0, s20;
	[sflag:s22] =	ssyncset.done $0x0  }
0xa1: {  	[sflag:s22] =	ssyncadd.s32 s5;
	_ =	sdelay $0x1  }
0xa2: {  	s23 =	simm.s32 $0x1B8B  }
0xa3: {  	_ =	swait.ge [sflag:s23], $0x1  }
0xa4: {  	[sflag:s23] =	ssyncset.done $0x0  }
0xa5: {  	s25 =	simm.s32 $0x1B8E;
	s24 =	sld [smem:$0x3FFE];
	[sflag:s23] =	ssyncadd.s32 $0xFFFFFFFF  }
0xa6: {  	s26 =	simm.s32 $execute0_lowered;
	[smem:$0x3FD2] =	sst s25  }
0xa7: {  	s6 =	sshll.u32 s26, $0x1;
	_ =	strace $0x80000046;
	[dreg:$0x1] =	wrdreg $0xFFFFFFFF  }
0xa8: {  	s28 =	simm.s32 $_size_execute0_lowered;
	s4 =	sadd.s32 s4, s6;
	[dreg:$0x0] =	wrdreg $0x0  }
0xa9: {  	s6 =	sshll.u32 s28, $0x1;
	[dreg:$0x2] =	wrdreg s4  }
0xaa: {  	[dreg:$0x3] =	wrdreg s6  }
0xab: {  	[dreg:$0x4] =	wrdreg $0xC0  }
0xac: {  	_ =	task [dreg:s8], $0x5FFFF  }
0xad: {  	[dreg:$0x1] =	wrdreg $0xFFFFFFFF  }
0xae: {  	[dreg:$0x0] =	wrdreg $0x60  }
0xaf: {  	[dreg:$0x2] =	wrdreg s24  }
0xb0: {  	[dreg:$0x3] =	wrdreg s2  }
0xb1: {  	[dreg:$0x4] =	wrdreg s18  }
0xb2: {  	[dreg:$0x5] =	wrdreg $0x9  }
0xb3: {  	_ =	task.clear_ibuf [dreg:s8], $0x6FFFF;
	_ =	strace $0x90000046  }
0xb4: {  	s29 =	simm.s32 $0x9;
	_ =	strace $0x80000048  }
0xb5: {  	_ =	swait.ge [sflag:s29], $0x1  }
0xb6: {  	[sflag:s29] =	ssyncadd.s32 $0xFFFFFFFF  }
0xb7: {  	_ =	strace $0x90000048  }
0xb8: {  	_ =	sfence  }
0xb9: {  	s30 =	sld [smem:$0x0];
	_ =	sdelay $0x2  }
0xba: {  	s31 =	sshll.u32 s1, $0xD;
	s1 =	sshrl.u32 s1, $0x2  }
0xbb: {  	s3 =	sand.u32 $0x4000, s31;
	s1 =	sadd.s32 s1, s30  }
0xbc: {  	s0 =	sor.u32 s3, s0;
	s1 =	sshll.u32 s1, $0x11  }
0xbd: {  	s0 =	sor.u32 s1, s0  }
0xbe: {  	s0 =	sadd.s32 $0x8F2B, s0  }
0xbf: {  	[sflag:s0] =	ssyncadd.remote.s32 $0x1  }
0xc0: {  	_ =	sfence.sel $0xFFFF  }
0xc1: {  	[dreg:$0x0] =	wrdreg $0xFFFFFFFF;
	(pc) =	sbr.abs _section_cstart, $3  }
0xc2: {  	[dreg:$0x1] =	wrdreg $0xFFFFFFFF  }
0xc3: {  	_ =	task.clear_ibuf [dreg:s8], $0x2FFFF;
	_ =	strace $0x9FFFFFFF  }
0xc4: {  	(tm) =	ssettm $0x7FFFFFFF  }
0xc5: {  	_ =	shalt  }
tec
execute0_lowered:
.L_overlay_start_1:
0x0: {  	(tag) =	ssettag $0x1  }
0x1: {  	s4 =	rddreg [dreg:$0x0];
	s1 =	srdreg.scid  }
0x2: {  	s0 =	stileid.u32;
	s7 =	rddreg [dreg:$0x1]  }
0x3: {  	s6 =	rddreg [dreg:$0x2];
	s2 =	simm.s32 $0x0;
	s11 =	simm.s32 $0x3880  }
0x4: {  	s12 =	simm.s32 $0x70;
	s3 =	sand.u32 $0x1, s1;
	s5 =	smul.u32 $0x1900, s0  }
0x5: {  	s13 =	simm.s32 $0x10;
	s1 =	rddreg [dreg:$0x3];
	s8 =	smul.u32 $0xC80, s3  }
0x6: {  	s14 =	simm.s32 $0x0;
	[smem:$0x7FF] =	sst s2;
	s26 =	ssub.s32 $0x2, s3  }
0x7: {  	_ =	strace $0x80000047;
	s3 =	sadd.s32 $0x600, s4;
	s5 =	sadd.s32 s8, s5  }
0x8: {  	s28 =	sshrl.u32 s26, $0x1;
	s8 =	simm.s32 $0x2;
	s9 =	smin.u32 s5, $0x17A20  }
0x9: {  	s5 =	ssub.s32 s26, s28;
	s10 =	sshll.u32 s9, $0x1;
	s30 =	sshll.u32 s9, $0x4  }
0xa: {  	s31 =	sshrl.u32 s9, $0x3;
	s9 =	simm.s32 $0x80;
	s29 =	sadd.s32 s10, s4  }
0xb: {  	s4 =	smax.u32 s5, $0x1;
	s6 =	sadd.s32 s30, s6;
	s7 =	sadd.s32 s31, s7  }
0xc: {  	s10 =	simm.s32 $0x1;
	s5 =	sadd.s32 $0x156400, s29;
	s6 =	sadd.s32 $0xE, s6  }
.LBB2_1:
0xd: {  	s15 =	sadd.s32 $0x0, s7  }
0xe: {  	[tilespmem:s2], [sflag:$0x2] =	stream.linear.gather [hbm4b:s15+s2], $0x80, $0x38;
	[tilespmem:$0x4080] =	vst v63  }
0xf: {  	_ =	swait.ge [sflag:s8], $0x80  }
0x10: {  	[sflag:s8] =	ssyncset.done $0x0  }
0x11: {  	[sflag:s8] =	ssyncadd.s32 $0xFFFFFF80  }
0x12: {  	[tilespmem:s9], [sflag:$0x1] =	stream.indirect.gather [hbm4b:s3+s9], $0x70, s2, s9, $0xb8;
	[tilespmem:$0x4080] =	vst v63  }
0x13: {  	_ =	swait.ge [sflag:s10], $0x3800  }
0x14: {  	[sflag:s10] =	ssyncset.done $0x0  }
0x15: {  	[sflag:s10] =	ssyncadd.s32 $0xFFFFC800  }
0x16: {  	[tilespmem:s11], [sflag:$0x2] =	stream.linear.gather [hbm4b:s5+s2], $0x800, $0x38;
	[tilespmem:$0x4080] =	vst v63  }
0x17: {  	_ =	swait.ge [sflag:s8], $0x800  }
0x18: {  	[sflag:s8] =	ssyncset.done $0x0  }
0x19: {  	s31 =	sadd.s32 $0xFFFFFFF2, s6;
	[sflag:s8] =	ssyncadd.s32 $0xFFFFF800  }
0x1a: {  	[hbm4b:s31+s12] =	stream.strided.scatter [tilespmem:s9], [sflag:$0x2], $0x3800, s9, s12, $0x38;
	[tilespmem:$0x4080] =	vst v63  }
0x1b: {  	_ =	swait.ge [sflag:s8], $0x3800  }
0x1c: {  	[sflag:s8] =	ssyncset.done $0x0  }
0x1d: {  	[sflag:s8] =	ssyncadd.s32 $0xFFFFC800  }
0x1e: {  	[hbm4b:s6+s13] =	stream.strided.scatter [tilespmem:s11], [sflag:$0x2], $0x800, s9, s13, $0x38;
	[tilespmem:$0x4080] =	vst v63  }
0x1f: {  	s17 =	simm.s32 $0x10;
	s18 =	simm.s32 $0x20;
	_ =	swait.ge [sflag:s8], $0x800  }
0x20: {  	s16 =	sadd.s32 $0x100, s5;
	s15 =	sadd.s32 $0x800, s6;
	[sflag:s8] =	ssyncset.done $0x0  }
.LBB2_2:
0x21: {  	s19 =	sadd.s32 s17, s7  }
0x22: {  	[sflag:s8] =	ssyncadd.s32 $0xFFFFF800;
	s17 =	smov.u32 s18;
	s20 =	sadd.s32 $0x10, s18  }
0x23: {  	[tilespmem:s2], [sflag:$0x2] =	stream.linear.gather [hbm4b:s19+s2], $0x80, $0x38;
	[tilespmem:$0x4080] =	vst v63  }
0x24: {  	p0 =	sne.s32 s18, $0x180;
	_ =	swait.ge [sflag:s8], $0x80  }
0x25: {  	[sflag:s8] =	ssyncset.done $0x0  }
0x26: {  	[sflag:s8] =	ssyncadd.s32 $0xFFFFFF80  }
0x27: {  	[tilespmem:s9], [sflag:$0x1] =	stream.indirect.gather [hbm4b:s3+s9], $0x70, s2, s9, $0xb8;
	[tilespmem:$0x4080] =	vst v63  }
0x28: {  	_ =	swait.ge [sflag:s10], $0x3800  }
0x29: {  	[sflag:s10] =	ssyncset.done $0x0  }
0x2a: {  	[sflag:s10] =	ssyncadd.s32 $0xFFFFC800  }
0x2b: {  	[tilespmem:s11], [sflag:$0x2] =	stream.linear.gather [hbm4b:s16+s2], $0x800, $0x38;
	[tilespmem:$0x4080] =	vst v63  }
0x2c: {  	_ =	swait.ge [sflag:s8], $0x800  }
0x2d: {  	[sflag:s8] =	ssyncset.done $0x0  }
0x2e: {  	s18 =	sadd.s32 $0xFFFFFFF2, s15;
	[sflag:s8] =	ssyncadd.s32 $0xFFFFF800  }
0x2f: {  	[hbm4b:s18+s12] =	stream.strided.scatter [tilespmem:s9], [sflag:$0x2], $0x3800, s9, s12, $0x38;
	[tilespmem:$0x4080] =	vst v63  }
0x30: {  	_ =	swait.ge [sflag:s8], $0x3800  }
.Ltmp0:
0x31: {  	[sflag:s8] =	ssyncset.done $0x0;
	(pc) =	sbr.rel @p0 .LBB2_2-.Ltmp0, $4  }
0x32: {  	[sflag:s8] =	ssyncadd.s32 $0xFFFFC800  }
0x33: {  	[hbm4b:s15+s13] =	stream.strided.scatter [tilespmem:s11], [sflag:$0x2], $0x800, s9, s13, $0x38;
	[tilespmem:$0x4080] =	vst v63  }
0x34: {  	s16 =	sadd.s32 $0x100, s16;
	_ =	swait.ge [sflag:s8], $0x800  }
0x35: {  	s18 =	smov.u32 s20;
	s15 =	sadd.s32 $0x800, s15;
	[sflag:s8] =	ssyncset.done $0x0  }
0x36: {  	s17 =	sadd.s32 s17, s7;
	[sflag:s8] =	ssyncadd.s32 $0xFFFFF800  }
0x37: {  	[tilespmem:s2], [sflag:$0x2] =	stream.linear.gather [hbm4b:s17+s2], $0x80, $0x38;
	[tilespmem:$0x4080] =	vst v63  }
0x38: {  	_ =	swait.ge [sflag:s8], $0x80  }
0x39: {  	[sflag:s8] =	ssyncset.done $0x0  }
0x3a: {  	[sflag:s8] =	ssyncadd.s32 $0xFFFFFF80  }
0x3b: {  	[tilespmem:s9], [sflag:$0x1] =	stream.indirect.gather [hbm4b:s3+s9], $0x70, s2, s9, $0xb8;
	[tilespmem:$0x4080] =	vst v63  }
0x3c: {  	_ =	swait.ge [sflag:s10], $0x3800  }
0x3d: {  	[sflag:s10] =	ssyncset.done $0x0  }
0x3e: {  	[sflag:s10] =	ssyncadd.s32 $0xFFFFC800  }
0x3f: {  	[tilespmem:s11], [sflag:$0x2] =	stream.linear.gather [hbm4b:s16+s2], $0x800, $0x38;
	[tilespmem:$0x4080] =	vst v63  }
0x40: {  	_ =	swait.ge [sflag:s8], $0x800  }
0x41: {  	[sflag:s8] =	ssyncset.done $0x0  }
0x42: {  	s31 =	sadd.s32 $0xFFFFFFF2, s15;
	[sflag:s8] =	ssyncadd.s32 $0xFFFFF800  }
0x43: {  	[hbm4b:s31+s12] =	stream.strided.scatter [tilespmem:s9], [sflag:$0x2], $0x3800, s9, s12, $0x38;
	[tilespmem:$0x4080] =	vst v63  }
0x44: {  	s14 =	sadd.s32 $0x1, s14;
	_ =	swait.ge [sflag:s8], $0x3800  }
0x45: {  	p0 =	sne.s32 s14, s4;
	[sflag:s8] =	ssyncset.done $0x0  }
.Ltmp1:
0x46: {  	[sflag:s8] =	ssyncadd.s32 $0xFFFFC800;
	(pc) =	sbr.rel @p0 .LBB2_1-.Ltmp1, $4  }
0x47: {  	[hbm4b:s15+s13] =	stream.strided.scatter [tilespmem:s11], [sflag:$0x2], $0x800, s9, s13, $0x38;
	[tilespmem:$0x4080] =	vst v63  }
0x48: {  	_ =	swait.ge [sflag:s8], $0x800  }
0x49: {  	[sflag:s8] =	ssyncset.done $0x0  }
0x4a: {  	[sflag:s8] =	ssyncadd.s32 $0xFFFFF800  }
0x4b: {  	_ =	sfence.sel $0x180000  }
0x4c: {  	[bflag:$0x0] =	sbarrier.arrive $0xFFFF  }
0x4d: {  	p0 =	sne.s32 s0, $0x0;
	_ =	strace $0x90000047  }
0x4e: {  	s0 =	sadd.s32 @!p0 $0x100000, s1;
	[bflag:$0x2] =	sbarrier.arrive $0xFFFF  }
0x4f: {  	[sflag:s0] =	ssyncadd.tile.s32 @!p0 $0x1;
	_ =	shalt  }
.Lfunc_end2:
_tile_overlayer_lowered:
.L_overlay_start_2:
0x50: {  	(tag) =	ssettag $0x2  }
0x51: {  	s0 =	rddreg [dreg:$0x0];
	s2 =	stileid.u32  }
0x52: {  	s1 =	rddreg [dreg:$0x1];
	p0 =	sne.s32 s2, $0x0  }
0x53: {  	s3 =	rddreg [dreg:$0x2];
	[bflag:$0x3] =	sbarrier.arrive $0xFFFF;
	s2 =	simm.s32 @!p0 $0x1C02  }
0x54: {  	[timem:s3], [sflag:s2] =	dma.local @!p0 [hbm:s0], s1  }
0x55: {  	s0 =	simm.s32 @!p0 $0x2  }
0x56: {  	_ =	swait.ge @!p0 [sflag:s0], s1  }
0x57: {  	s1 =	ssub.s32 @!p0 $0x0, s1;
	[sflag:s0] =	ssyncset.done @!p0 $0x0  }
0x58: {  	[sflag:s0] =	ssyncadd.s32 @!p0 s1  }
0x59: {  	[bflag:$0x3] =	sbarrier.arrive $0xFFFF  }
0x5a: {  	_ =	shalt  }

</sc_bundles>
